<compile_context>
chip_gen: v7x
topology: tpu7x:2x2x1
jax: 0.10.2.dev20260603
libtpu: 0.0.44.dev20260713+nightly
codegen_flags: <defaults>
</compile_context>

<pallas_src>
import functools

import jax
import jax.numpy as jnp
from jax import lax
from jax.experimental import pallas as pl
from jax.experimental.pallas import tpu as pltpu
from jax.experimental.pallas import tpu_sc as plsc

_IDX_PAD = 128


def _sc_gather(table, idx):
    V, D = table.shape
    B = idx.shape[0]
    info = plsc.get_sparse_core_info()
    NC, NS = info.num_cores, info.num_subcores
    NW = NC * NS
    b_per_w = B // NW
    NC = 1
    NW = NC * NS
    b_per_w = B // NW
    mesh = plsc.VectorSubcoreMesh(core_axis_name="c", subcore_axis_name="s",
                                  num_cores=NC)

    @functools.partial(
        pl.kernel,
        mesh=mesh,
        out_type=jax.ShapeDtypeStruct((B, D), jnp.float32),
        scratch_types=[
            pltpu.VMEM((b_per_w,), jnp.int32),
            pltpu.VMEM((b_per_w, D), jnp.float32),
            pltpu.SemaphoreType.DMA,
        ],
    )
    def gather_kernel(table_hbm, idx_hbm, out_hbm, idx_v, rows_v, sem):
        wid = lax.axis_index("s") * NC + lax.axis_index("c")
        base = wid * b_per_w
        pltpu.sync_copy(idx_hbm.at[pl.ds(base, b_per_w)], idx_v)
        pltpu.async_copy(table_hbm.at[idx_v], rows_v, sem).wait()
        pltpu.sync_copy(rows_v, out_hbm.at[pl.ds(base, b_per_w)])

    return gather_kernel(table, idx)


def _tc_body(n_rel, pos_ref, len_ref, rel_ref, w_ref, b_ref, lam_ref,
             pabs_ref, out_ref):
    K = (n_rel - 1) // 2
    B = pos_ref.shape[0]
    p = pos_ref[...].reshape(1, B)
    L = len_ref[...].reshape(1, B)
    i = lax.broadcasted_iota(jnp.int32, (_IDX_PAD, 1), 0)

    c_lo = jnp.clip(p - (K - 1), 0, L)
    c_hi = jnp.maximum(L - (p + K), 0)
    mid = ((i >= 1) & (i <= 2 * K - 1) & (i >= K - p) & (i < L - p + K))
    cnt_t = jnp.where(i == 0, c_lo, jnp.where(i == 2 * K, c_hi,
                                              mid.astype(jnp.int32)))
    cnt_f = cnt_t.astype(jnp.float32)

    rel = jnp.concatenate(
        [rel_ref[...], jnp.zeros((_IDX_PAD - n_rel, rel_ref.shape[1]),
                                 jnp.float32)], axis=0)

    s = jnp.dot(rel, w_ref[...], preferred_element_type=jnp.float32)
    s = s + b_ref[0]
    s = jnp.where(i < n_rel, s, jnp.float32(-1e9))
    e = jnp.exp(s - jnp.max(s))

    dn = (((0,), (0,)), ((), ()))
    numer = lax.dot_general(cnt_f, e * rel, dn,
                            preferred_element_type=jnp.float32)
    z = lax.dot_general(cnt_f, e, dn,
                        preferred_element_type=jnp.float32)

    lam = lam_ref[0]
    out_ref[...] = lam * pabs_ref[...] + ((1.0 - lam) / z) * numer


def kernel(pos_ids, re_len, pe, rel_table, W_attn, b_attn, lam):
    B = pos_ids.shape[0]
    n_rel, H = rel_table.shape

    p_abs = _sc_gather(pe, pos_ids)

    vmem = pl.BlockSpec(memory_space=pltpu.VMEM)
    smem = pl.BlockSpec(memory_space=pltpu.SMEM)
    return pl.pallas_call(
        functools.partial(_tc_body, n_rel),
        out_shape=jax.ShapeDtypeStruct((B, H), jnp.float32),
        in_specs=[vmem, vmem, vmem, vmem, smem, smem, vmem],
        out_specs=vmem,
    )(pos_ids, re_len, rel_table, W_attn, b_attn,
      jnp.asarray(lam, jnp.float32).reshape(1), p_abs)

# --- scband reference (transcript-rebuilt; emitter-appended) ---
"""Pipeline reference for scband-sentence-position-encoder-7645041787312 (READ-ONLY COPY).

The authoritative reference and input builder live on the scoring server;
editing this copy changes nothing except your own understanding.
"""

import jax, jax.numpy as jnp
import numpy as np

HIDDEN = 256
MAX_LEN = 512
K = 32
BATCH = 1024


def _sinusoid_table(n_position, d_hid):
    pos = np.arange(n_position)[:, None].astype(np.float64)
    hid = np.arange(d_hid)[None, :]
    angle = pos / np.power(10000.0, 2.0 * (hid // 2) / float(d_hid))
    table = np.zeros((n_position, d_hid), dtype=np.float64)
    table[:, 0::2] = np.sin(angle[:, 0::2])
    table[:, 1::2] = np.cos(angle[:, 1::2])
    return jnp.asarray(table, dtype=jnp.float32)


def setup_inputs(seed: int = 0):
    key = jax.random.key(seed)
    k1, k2, k3, k4 = jax.random.split(key, 4)
    pos_ids = jax.random.randint(k1, (BATCH,), 0, MAX_LEN).astype(jnp.int32)
    re_len = jax.random.randint(k2, (BATCH,), 1, MAX_LEN + 1).astype(jnp.int32)
    pe = _sinusoid_table(MAX_LEN, HIDDEN)
    rel_table = jax.random.normal(k3, (2 * K + 1, HIDDEN), dtype=jnp.float32)
    W_attn = jax.random.normal(k4, (HIDDEN, 1), dtype=jnp.float32) * 0.02
    b_attn = jnp.zeros((1,), dtype=jnp.float32)
    lam = jnp.asarray(0.5, dtype=jnp.float32)
    return {"pos_ids": pos_ids, "re_len": re_len, "pe": pe, "rel_table": rel_table, "W_attn": W_attn, "b_attn": b_attn, "lam": lam}


def reference(pos_ids, re_len, pe, rel_table, W_attn, b_attn, lam):
    safe_pos_ids = jnp.clip(pos_ids, 0, MAX_LEN - 1)
    p_abs = jnp.take(pe, safe_pos_ids, axis=0)
    seq_range = jnp.arange(MAX_LEN, dtype=pos_ids.dtype)[None, :]
    relative_dist = seq_range - pos_ids[:, None]
    dist_clipped = jnp.clip(relative_dist, -K, K) + K
    rel_embeds = jnp.take(rel_table, dist_clipped, axis=0)
    mask = seq_range < re_len[:, None]
    attn_scores = (rel_embeds @ W_attn + b_attn)[..., 0]
    attn_scores = jnp.where(mask, attn_scores, jnp.float32(-1000000000.0))
    attn_weights = jax.nn.softmax(attn_scores, axis=-1)[..., None]
    p_rel_aggregated = jnp.sum(rel_embeds * attn_weights, axis=1)
    pos_feature = lam * p_abs + (1.0 - lam) * p_rel_aggregated
    return pos_feature

if __name__ == "__main__":
    import jax
    _d = setup_inputs()
    print(jax.jit(kernel)(*tuple(_d.values())))

</pallas_src>

<mosaic_0001>
#map = affine_map<(d0, d1) -> (0, 0)>
#map1 = affine_map<(d0, d1) -> (0)>
module attributes {stable_mosaic.version = 14 : i64} {
  func.func @gather_kernel(%arg0: i32, %arg1: i32, %arg2: memref<512x256xf32, #tpu.memory_space<hbm>>, %arg3: memref<1024xi32, #tpu.memory_space<hbm>>, %arg4: memref<1024x256xf32, #tpu.memory_space<hbm>>, %arg5: memref<64xi32, #tpu.memory_space<vmem>>, %arg6: memref<64x256xf32, #tpu.memory_space<vmem>>, %arg7: memref<!tpu.dma_semaphore, #tpu.memory_space<semaphore_mem>>) attributes {dimension_semantics = [#tpu.dimension_semantics<core_parallel>, #tpu.dimension_semantics<subcore_parallel>], iteration_bounds = array<i64: 1, 16>, scalar_prefetch = 0 : i64, scratch_operands = 3 : i64, tpu.core_type = #tpu.core_type<sc_vector_subcore>, window_params = [{transform_indices = #map}, {transform_indices = #map1}, {transform_indices = #map}]} {
    %mul3A = arith.constant 1 : i32
    %mul3A_0 = arith.muli %arg1, %mul3A : i32
    %add3A = arith.addi %mul3A_0, %arg0 : i32
    %mul3A_1 = arith.constant 64 : i32
    %mul3A_2 = arith.muli %add3A, %mul3A_1 : i32
    "tpu.region"() ({
      %run_scoped3A = tpu.sem_alloc : memref<!tpu.dma_semaphore, #tpu.memory_space<semaphore_mem>>
      %dma_start3A_7 = tpu.memref_slice %arg3[%mul3A_2] : memref<1024xi32, #tpu.memory_space<hbm>> -> memref<64xi32, #tpu.memory_space<hbm>>
      %dma_start3A_8 = tpu.memref_slice %arg3[%mul3A_2] : memref<1024xi32, #tpu.memory_space<hbm>> -> memref<64xi32, #tpu.memory_space<hbm>>
      tpu.enqueue_dma source(%dma_start3A_8 : memref<64xi32, #tpu.memory_space<hbm>>) target(%arg5 : memref<64xi32, #tpu.memory_space<vmem>>) target_semaphore(%run_scoped3A : memref<!tpu.dma_semaphore, #tpu.memory_space<semaphore_mem>>)
      %dma_wait3A_9 = tpu.memref_slice %arg3[%mul3A_2] : memref<1024xi32, #tpu.memory_space<hbm>> -> memref<64xi32, #tpu.memory_space<hbm>>
      %dma_wait3A_10 = tpu.memref_slice %arg3[%mul3A_2] : memref<1024xi32, #tpu.memory_space<hbm>> -> memref<64xi32, #tpu.memory_space<hbm>>
      tpu.wait_dma2 semaphore(%run_scoped3A : memref<!tpu.dma_semaphore, #tpu.memory_space<semaphore_mem>>) src(%dma_wait3A_10 : memref<64xi32, #tpu.memory_space<hbm>>) dst(%arg5 : memref<64xi32, #tpu.memory_space<vmem>>)
      tpu.yield
    }) : () -> ()
    %dma_start3A = arith.constant 0 : i32
    %dma_start3A_3 = arith.constant 0 : i32
    %dma_start3A_4 = tpu.memref_slice %arg2[%dma_start3A, %dma_start3A_3] : memref<512x256xf32, #tpu.memory_space<hbm>> -> memref<512x256xf32, #tpu.memory_space<hbm>>
    tpu.enqueue_indirect_dma source(%dma_start3A_4 : memref<512x256xf32, #tpu.memory_space<hbm>>) target(%arg6 : memref<64x256xf32, #tpu.memory_space<vmem>>) offsets(%arg5 : memref<64xi32, #tpu.memory_space<vmem>>) semaphore(%arg7 : memref<!tpu.dma_semaphore, #tpu.memory_space<semaphore_mem>>)
    %dma_wait3A = arith.constant 0 : i32
    %dma_wait3A_5 = arith.constant 0 : i32
    %dma_wait3A_6 = tpu.memref_slice %arg2[%dma_wait3A, %dma_wait3A_5] : memref<512x256xf32, #tpu.memory_space<hbm>> -> memref<512x256xf32, #tpu.memory_space<hbm>>
    tpu.wait_indirect_dma semaphore(%arg7 : memref<!tpu.dma_semaphore, #tpu.memory_space<semaphore_mem>>) src(%dma_wait3A_6 : memref<512x256xf32, #tpu.memory_space<hbm>>) dst(%arg6 : memref<64x256xf32, #tpu.memory_space<vmem>>)
    "tpu.region"() ({
      %run_scoped3A = tpu.sem_alloc : memref<!tpu.dma_semaphore, #tpu.memory_space<semaphore_mem>>
      %dma_start3A_7 = arith.constant 0 : i32
      %dma_start3A_8 = tpu.memref_slice %arg4[%mul3A_2, %dma_start3A_7] : memref<1024x256xf32, #tpu.memory_space<hbm>> -> memref<64x256xf32, #tpu.memory_space<hbm>>
      %dma_start3A_9 = arith.constant 0 : i32
      %dma_start3A_10 = tpu.memref_slice %arg4[%mul3A_2, %dma_start3A_9] : memref<1024x256xf32, #tpu.memory_space<hbm>> -> memref<64x256xf32, #tpu.memory_space<hbm>>
      tpu.enqueue_dma source(%arg6 : memref<64x256xf32, #tpu.memory_space<vmem>>) target(%dma_start3A_10 : memref<64x256xf32, #tpu.memory_space<hbm>>) target_semaphore(%run_scoped3A : memref<!tpu.dma_semaphore, #tpu.memory_space<semaphore_mem>>)
      %dma_wait3A_11 = arith.constant 0 : i32
      %dma_wait3A_12 = tpu.memref_slice %arg4[%mul3A_2, %dma_wait3A_11] : memref<1024x256xf32, #tpu.memory_space<hbm>> -> memref<64x256xf32, #tpu.memory_space<hbm>>
      %dma_wait3A_13 = arith.constant 0 : i32
      %dma_wait3A_14 = tpu.memref_slice %arg4[%mul3A_2, %dma_wait3A_13] : memref<1024x256xf32, #tpu.memory_space<hbm>> -> memref<64x256xf32, #tpu.memory_space<hbm>>
      tpu.wait_dma2 semaphore(%run_scoped3A : memref<!tpu.dma_semaphore, #tpu.memory_space<semaphore_mem>>) src(%arg6 : memref<64x256xf32, #tpu.memory_space<vmem>>) dst(%dma_wait3A_14 : memref<64x256xf32, #tpu.memory_space<hbm>>)
      tpu.yield
    }) : () -> ()
    return
  }
}

module attributes {stable_mosaic.version = 14 : i64} {
  func.func @_tc_body(%arg0: memref<1024xi32, #tpu.memory_space<vmem>>, %arg1: memref<1024xi32, #tpu.memory_space<vmem>>, %arg2: memref<65x256xf32, #tpu.memory_space<vmem>>, %arg3: memref<256x1xf32, #tpu.memory_space<vmem>>, %arg4: memref<1xf32, #tpu.memory_space<smem>>, %arg5: memref<1xf32, #tpu.memory_space<smem>>, %arg6: memref<1024x256xf32, #tpu.memory_space<vmem>>, %arg7: memref<1024x256xf32, #tpu.memory_space<vmem>>) attributes {dimension_semantics = [], scalar_prefetch = 0 : i64, scratch_operands = 0 : i64, tpu.core_type = #tpu.core_type<tc>} {
    %get3A = arith.constant 0 : index
    %get3A_0 = vector.load %arg0[%get3A] : memref<1024xi32, #tpu.memory_space<vmem>>, vector<1024xi32>
    %reshape3A = vector.shape_cast %get3A_0 : vector<1024xi32> to vector<1x1024xi32>
    %get3A_1 = arith.constant 0 : index
    %get3A_2 = vector.load %arg1[%get3A_1] : memref<1024xi32, #tpu.memory_space<vmem>>, vector<1024xi32>
    %reshape3A_3 = vector.shape_cast %get3A_2 : vector<1024xi32> to vector<1x1024xi32>
    %iota3A = tpu.iota {dimensions = array<i32: 0>} : vector<128x1xi32>
    %sub3A = arith.constant 31 : i32
    %sub3A_4 = vector.broadcast %sub3A : i32 to vector<1x1024xi32>
    %sub3A_5 = arith.subi %reshape3A, %sub3A_4 : vector<1x1024xi32>
    %jit3A = arith.constant 0 : i32
    %max3A = vector.broadcast %jit3A : i32 to vector<1x1024xi32>
    %max3A_6 = arith.maxsi %max3A, %sub3A_5 : vector<1x1024xi32>
    %min3A = arith.minsi %reshape3A_3, %max3A_6 : vector<1x1024xi32>
    %add3A = arith.constant 32 : i32
    %add3A_7 = vector.broadcast %add3A : i32 to vector<1x1024xi32>
    %add3A_8 = arith.addi %reshape3A, %add3A_7 : vector<1x1024xi32>
    %sub3A_9 = arith.subi %reshape3A_3, %add3A_8 : vector<1x1024xi32>
    %max3A_10 = arith.constant 0 : i32
    %max3A_11 = vector.broadcast %max3A_10 : i32 to vector<1x1024xi32>
    %max3A_12 = arith.maxsi %sub3A_9, %max3A_11 : vector<1x1024xi32>
    %ge3A = arith.constant 1 : i32
    %ge3A_13 = vector.broadcast %ge3A : i32 to vector<128x1xi32>
    %ge3A_14 = arith.cmpi sge, %iota3A, %ge3A_13 : vector<128x1xi32>
    %le3A = arith.constant 63 : i32
    %le3A_15 = vector.broadcast %le3A : i32 to vector<128x1xi32>
    %le3A_16 = arith.cmpi sle, %iota3A, %le3A_15 : vector<128x1xi32>
    %and3A = arith.andi %ge3A_14, %le3A_16 : vector<128x1xi1>
    %sub3A_17 = arith.constant 32 : i32
    %sub3A_18 = vector.broadcast %sub3A_17 : i32 to vector<1x1024xi32>
    %sub3A_19 = arith.subi %sub3A_18, %reshape3A : vector<1x1024xi32>
    %ge3A_20 = vector.broadcast %iota3A : vector<128x1xi32> to vector<128x1024xi32>
    %ge3A_21 = vector.broadcast %sub3A_19 : vector<1x1024xi32> to vector<128x1024xi32>
    %ge3A_22 = arith.cmpi sge, %ge3A_20, %ge3A_21 : vector<128x1024xi32>
    %and3A_23 = vector.broadcast %and3A : vector<128x1xi1> to vector<128x1024xi1>
    %and3A_24 = arith.andi %and3A_23, %ge3A_22 : vector<128x1024xi1>
    %sub3A_25 = arith.subi %reshape3A_3, %reshape3A : vector<1x1024xi32>
    %add3A_26 = arith.constant 32 : i32
    %add3A_27 = vector.broadcast %add3A_26 : i32 to vector<1x1024xi32>
    %add3A_28 = arith.addi %sub3A_25, %add3A_27 : vector<1x1024xi32>
    %lt3A = vector.broadcast %iota3A : vector<128x1xi32> to vector<128x1024xi32>
    %lt3A_29 = vector.broadcast %add3A_28 : vector<1x1024xi32> to vector<128x1024xi32>
    %lt3A_30 = arith.cmpi slt, %lt3A, %lt3A_29 : vector<128x1024xi32>
    %and3A_31 = arith.andi %and3A_24, %lt3A_30 : vector<128x1024xi1>
    %eq3A = arith.constant 0 : i32
    %eq3A_32 = vector.broadcast %eq3A : i32 to vector<128x1xi32>
    %eq3A_33 = arith.cmpi eq, %iota3A, %eq3A_32 : vector<128x1xi32>
    %eq3A_34 = arith.constant 64 : i32
    %eq3A_35 = vector.broadcast %eq3A_34 : i32 to vector<128x1xi32>
    %eq3A_36 = arith.cmpi eq, %iota3A, %eq3A_35 : vector<128x1xi32>
    %convert_element_type3A = arith.extui %and3A_31 : vector<128x1024xi1> to vector<128x1024xi32>
    %broadcast_in_dim3A = vector.shape_cast %eq3A_36 : vector<128x1xi1> to vector<128x1xi1>
    %broadcast_in_dim3A_37 = vector.broadcast %broadcast_in_dim3A : vector<128x1xi1> to vector<128x1024xi1>
    %broadcast_in_dim3A_38 = vector.shape_cast %max3A_12 : vector<1x1024xi32> to vector<1x1024xi32>
    %broadcast_in_dim3A_39 = vector.broadcast %broadcast_in_dim3A_38 : vector<1x1024xi32> to vector<128x1024xi32>
    %select_n3A = arith.select %broadcast_in_dim3A_37, %broadcast_in_dim3A_39, %convert_element_type3A : vector<128x1024xi1>, vector<128x1024xi32>
    %broadcast_in_dim3A_40 = vector.shape_cast %eq3A_33 : vector<128x1xi1> to vector<128x1xi1>
    %broadcast_in_dim3A_41 = vector.broadcast %broadcast_in_dim3A_40 : vector<128x1xi1> to vector<128x1024xi1>
    %broadcast_in_dim3A_42 = vector.shape_cast %min3A : vector<1x1024xi32> to vector<1x1024xi32>
    %broadcast_in_dim3A_43 = vector.broadcast %broadcast_in_dim3A_42 : vector<1x1024xi32> to vector<128x1024xi32>
    %select_n3A_44 = arith.select %broadcast_in_dim3A_41, %broadcast_in_dim3A_43, %select_n3A : vector<128x1024xi1>, vector<128x1024xi32>
    %convert_element_type3A_45 = arith.sitofp %select_n3A_44 : vector<128x1024xi32> to vector<128x1024xf32>
    %get3A_46 = arith.constant 0 : index
    %get3A_47 = arith.constant 0 : index
    %get3A_48 = vector.load %arg2[%get3A_46, %get3A_47] : memref<65x256xf32, #tpu.memory_space<vmem>>, vector<65x256xf32>
    %broadcast_in_dim3A_49 = arith.constant 0.000000e+00 : f32
    %broadcast_in_dim3A_50 = vector.broadcast %broadcast_in_dim3A_49 : f32 to vector<63x256xf32>
    %concatenate3A = tpu.concatenate %get3A_48, %broadcast_in_dim3A_50 in 0 : vector<65x256xf32>, vector<63x256xf32> -> vector<128x256xf32>
    %get3A_51 = arith.constant 0 : index
    %get3A_52 = arith.constant 0 : index
    %get3A_53 = vector.load %arg3[%get3A_51, %get3A_52] : memref<256x1xf32, #tpu.memory_space<vmem>>, vector<256x1xf32>
    %dot_general3A = arith.constant dense<0.000000e+00> : vector<128x1xf32>
    %dot_general3A_54 = tpu.matmul %concatenate3A, %get3A_53, %dot_general3A {dimension_numbers = #tpu.dot_dimension_numbers<[1], [0], [0], [1], [0, 0, 1, 1], [], []>, transpose_lhs_hint = false} : vector<128x256xf32>, vector<256x1xf32>, vector<128x1xf32> -> vector<128x1xf32>
    %get3A_55 = arith.constant 0 : index
    %get3A_56 = memref.load %arg4[%get3A_55] : memref<1xf32, #tpu.memory_space<smem>>
    %add3A_57 = vector.broadcast %get3A_56 : f32 to vector<128x1xf32>
    %add3A_58 = arith.addf %dot_general3A_54, %add3A_57 : vector<128x1xf32>
    %lt3A_59 = arith.constant 65 : i32
    %lt3A_60 = vector.broadcast %lt3A_59 : i32 to vector<128x1xi32>
    %lt3A_61 = arith.cmpi slt, %iota3A, %lt3A_60 : vector<128x1xi32>
    %jit3A_62 = arith.constant -1.000000e+09 : f32
    %broadcast_in_dim3A_63 = vector.broadcast %jit3A_62 : f32 to vector<128x1xf32>
    %select_n3A_64 = arith.select %lt3A_61, %add3A_58, %broadcast_in_dim3A_63 : vector<128x1xi1>, vector<128x1xf32>
    %reduce_max3A = vector.shape_cast %select_n3A_64 : vector<128x1xf32> to vector<1x128x1xf32>
    %reduce_max3A_65 = arith.constant dense<0xFF800000> : vector<1xf32>
    %reduce_max3A_66 = vector.multi_reduction <maximumf>, %reduce_max3A, %reduce_max3A_65 [1, 2] : vector<1x128x1xf32> to vector<1xf32>
    %reduce_max3A_67 = vector.shape_cast %reduce_max3A_66 : vector<1xf32> to vector<1x1x1xf32>
    %reduce_max3A_68 = vector.extract %reduce_max3A_67[0, 0, 0] : f32 from vector<1x1x1xf32>
    %sub3A_69 = vector.broadcast %reduce_max3A_68 : f32 to vector<128x1xf32>
    %sub3A_70 = arith.subf %select_n3A_64, %sub3A_69 : vector<128x1xf32>
    %exp3A = math.exp %sub3A_70 : vector<128x1xf32>
    %mul3A = vector.broadcast %exp3A : vector<128x1xf32> to vector<128x256xf32>
    %mul3A_71 = arith.mulf %mul3A, %concatenate3A : vector<128x256xf32>
    %dot_general3A_72 = arith.constant dense<0.000000e+00> : vector<1024x256xf32>
    %dot_general3A_73 = tpu.matmul %convert_element_type3A_45, %mul3A_71, %dot_general3A_72 {dimension_numbers = #tpu.dot_dimension_numbers<[0], [0], [1], [1], [0, 1, 1, 1], [], []>, transpose_lhs_hint = false} : vector<128x1024xf32>, vector<128x256xf32>, vector<1024x256xf32> -> vector<1024x256xf32>
    %dot_general3A_74 = arith.constant dense<0.000000e+00> : vector<1024x1xf32>
    %dot_general3A_75 = tpu.matmul %convert_element_type3A_45, %exp3A, %dot_general3A_74 {dimension_numbers = #tpu.dot_dimension_numbers<[0], [0], [1], [1], [0, 1, 1, 1], [], []>, transpose_lhs_hint = false} : vector<128x1024xf32>, vector<128x1xf32>, vector<1024x1xf32> -> vector<1024x1xf32>
    %get3A_76 = arith.constant 0 : index
    %get3A_77 = memref.load %arg5[%get3A_76] : memref<1xf32, #tpu.memory_space<smem>>
    %get3A_78 = arith.constant 0 : index
    %get3A_79 = arith.constant 0 : index
    %get3A_80 = vector.load %arg6[%get3A_78, %get3A_79] : memref<1024x256xf32, #tpu.memory_space<vmem>>, vector<1024x256xf32>
    %mul3A_81 = vector.broadcast %get3A_77 : f32 to vector<1024x256xf32>
    %mul3A_82 = arith.mulf %mul3A_81, %get3A_80 : vector<1024x256xf32>
    %sub3A_83 = arith.constant 1.000000e+00 : f32
    %sub3A_84 = arith.subf %sub3A_83, %get3A_77 : f32
    %div3A = vector.broadcast %sub3A_84 : f32 to vector<1024x1xf32>
    %div3A_85 = arith.divf %div3A, %dot_general3A_75 : vector<1024x1xf32>
    %mul3A_86 = vector.broadcast %div3A_85 : vector<1024x1xf32> to vector<1024x256xf32>
    %mul3A_87 = arith.mulf %mul3A_86, %dot_general3A_73 : vector<1024x256xf32>
    %add3A_88 = arith.addf %mul3A_82, %mul3A_87 : vector<1024x256xf32>
    %swap3A = arith.constant 0 : index
    %swap3A_89 = arith.constant 0 : index
    %swap3A_90 = vector.load %arg7[%swap3A, %swap3A_89] : memref<1024x256xf32, #tpu.memory_space<vmem>>, vector<1024x256xf32>
    tpu.vector_store %arg7[%swap3A, %swap3A_89], %add3A_88 {strides = array<i32>} : memref<1024x256xf32, #tpu.memory_space<vmem>>, vector<1024x256xf32>,
    return
  }
}

</mosaic_0001>

<sc_bundles>
// kernel: kernel.4.cloned.1.call-start
scs
__scs_entry_jumppad:
0x0: {  	(pc) =	sbr.rel $0x88, $3  }
0x1: {  	(tag) =	ssettag $0x0;
	lr =	simm.s32 $0x1  }
0x2: {  	[smem:$0x3F9A] =	sst lr;
	_ =	strace $0xD0000000  }
0x3: {  	_ = 	snop  }
0x4: {  	_ = 	snop  }
0x5: {  	_ = 	snop  }
0x6: {  	_ = 	snop  }
0x7: {  	_ = 	snop  }
__scs_overlays_trampoline_lowered:
0x8: {  	[smem:$0x3FA9] =	sst s0  }
0x9: {  	[smem:$0x3FAA] =	sst s1  }
0xa: {  	[smem:$0x3FAB] =	sst s2  }
0xb: {  	[smem:$0x3FAC] =	sst s3  }
0xc: {  	[smem:$0x3FAD] =	sst s4  }
0xd: {  	[smem:$0x3FAE] =	sst s5  }
0xe: {  	[smem:$0x3FAF] =	sst s6  }
0xf: {  	[smem:$0x3FB0] =	sst s7  }
0x10: {  	[smem:$0x3FB1] =	sst s8  }
0x11: {  	[smem:$0x3FB2] =	sst s9;
	s0 =	simm.s32 @!p0 $0x0  }
0x12: {  	s1 =	sld [smem:$0x3F98];
	s0 =	simm.s32 @p0 $0x1  }
0x13: {  	[smem:$0x3FB3] =	sst s0;
	s0 =	simm.s32 @!p1 $0x0  }
0x14: {  	s2 =	sld [smem:$0x3F97];
	s0 =	simm.s32 @p1 $0x1  }
0x15: {  	[smem:$0x3FB4] =	sst s0;
	s0 =	simm.s32 @!p2 $0x0  }
0x16: {  	s3 =	sld [smem:$0x3FDB];
	s0 =	simm.s32 @p2 $0x1  }
0x17: {  	s4 =	simm.s32 $0x1BF5;
	[smem:$0x3FB6] =	sst s0  }
0x18: {  	s0 =	sld [smem:$0x3F99];
	_ =	swait.ge [sflag:s4], $0x0  }
0x19: {  	s7 =	sld [smem:$0x3F9A]  }
0x1a: {  	s8 =	sadd.s32 $0xFFFFE003, lr  }
0x1b: {  	s9 =	sadd.s32 $0xFFFFFEF7, lr;
	s5 =	simm.s32 $0xFFFFFFFF;
	p2 =	slt.u32 s8, $0xFFFFF086  }
0x1c: {  	p1 =	slt.u32 s9, $0xF7A;
	s5 =	simm.s32 @!p2 $0x0  }
0x1d: {  	s5 =	simm.s32 @p1 $0x1;
	p0 =	seq.s32 s7, s2  }
0x1e: {  	s7 =	smul.u32 @!p0 $0xF7A, s2;
	p2 =	seq.s32 @!p0 s5, $0x0  }
0x1f: {  	s9 =	smul.u32 $0xF7A, s1;
	s8 =	simm.s32 @!p0 $0x1BF5;
	p2 =	por !p2, p0  }
0x20: {  	[sflag:s8] =	ssyncset.s32 @!p0 $0xFFFFF086;
	s6 =	sadd.s32 @!p0 s3, s7;
	s7 =	simm.s32 @!p0 $0x108  }
0x21: {  	s3 =	sadd.s32 s3, s9;
	s6 =	sadd.s32 @!p0 $0x88, s6;
	s7 =	simm.s32 @p2 $0x1082  }
0x22: {  	[simem:s7], [sflag:s8] =	dma.local @!p0 [hbm:s6], $0xF7A  }
0x23: {  	s9 =	sor.u32 $0xD0000000, s2;
	s6 =	simm.s32 $0x108;
	_ =	swait.ge @!p0 [sflag:s8], $0x0  }
0x24: {  	s3 =	sadd.s32 $0x88, s3;
	s6 =	simm.s32 @!p1 $0x1082;
	[sflag:s4] =	ssyncset.s32 $0xFFFFF086  }
0x25: {  	[simem:s6], [sflag:s4] =	dma.local [hbm:s3], $0xF7A  }
0x26: {  	[smem:$0x3F9A] =	sst s1;
	(tag) =	ssettag s2;
	_ =	strace s9  }
0x27: {  	s1 =	sld [smem:$0x3FAA]  }
0x28: {  	s2 =	sld [smem:$0x3FAB]  }
0x29: {  	s4 =	sld [smem:$0x3FAD]  }
0x2a: {  	p0 =	seq.s32 s5, $0x0;
	s5 =	sld [smem:$0x3FAE]  }
0x2b: {  	s6 =	sld [smem:$0x3FAF]  }
0x2c: {  	s7 =	sld [smem:$0x3FB0]  }
0x2d: {  	s3 =	simm.s32 $0x108;
	s8 =	sld [smem:$0x3FB1]  }
0x2e: {  	s3 =	simm.s32 @!p0 $0x1082;
	s9 =	sld [smem:$0x3FB2]  }
0x2f: {  	lr =	sadd.s32 s0, s3;
	s0 =	sld [smem:$0x3FA9]  }
0x30: {  	s3 =	sld [smem:$0x3FAC]  }
0x31: {  	[smem:$0x3FB5] =	sst s10  }
0x32: {  	s10 =	sld [smem:$0x3FB3];
	_ =	sdelay $0x3  }
0x33: {  	p0 =	seq.s32 s10, $0x1;
	s10 =	sld [smem:$0x3FB5];
	_ =	sdelay $0x3  }
0x34: {  	[smem:$0x3FB5] =	sst s10  }
0x35: {  	s10 =	sld [smem:$0x3FB4];
	_ =	sdelay $0x3  }
0x36: {  	p1 =	seq.s32 s10, $0x1;
	s10 =	sld [smem:$0x3FB5];
	_ =	sdelay $0x3  }
0x37: {  	[smem:$0x3FB5] =	sst s10  }
0x38: {  	s10 =	sld [smem:$0x3FB6]  }
0x39: {  	_ = 	snop;
	(pc) =	sbr.ind lr, $3  }
0x3a: {  	_ = 	snop  }
0x3b: {  	_ = 	snop  }
0x3c: {  	p2 =	seq.s32 s10, $0x1;
	s10 =	sld [smem:$0x3FB5]  }
0x3d: {  	_ =	shalt  }
0x3e: {  	_ =	shalt  }
0x3f: {  	_ =	shalt  }
0x40: {  	_ =	shalt  }
0x41: {  	_ =	shalt  }
0x42: {  	_ =	shalt  }
0x43: {  	_ =	shalt  }
0x44: {  	_ =	shalt  }
0x45: {  	_ =	shalt  }
0x46: {  	_ =	shalt  }
0x47: {  	_ =	shalt  }
0x48: {  	_ =	shalt  }
0x49: {  	_ =	shalt  }
0x4a: {  	_ =	shalt  }
0x4b: {  	_ =	shalt  }
0x4c: {  	_ =	shalt  }
0x4d: {  	_ =	shalt  }
0x4e: {  	_ =	shalt  }
0x4f: {  	_ =	shalt  }
0x50: {  	_ =	shalt  }
0x51: {  	_ =	shalt  }
0x52: {  	_ =	shalt  }
0x53: {  	_ =	shalt  }
0x54: {  	_ =	shalt  }
0x55: {  	_ =	shalt  }
0x56: {  	_ =	shalt  }
0x57: {  	_ =	shalt  }
0x58: {  	_ =	shalt  }
0x59: {  	_ =	shalt  }
0x5a: {  	_ =	shalt  }
0x5b: {  	_ =	shalt  }
0x5c: {  	_ =	shalt  }
0x5d: {  	_ =	shalt  }
0x5e: {  	_ =	shalt  }
0x5f: {  	_ =	shalt  }
0x60: {  	_ =	shalt  }
0x61: {  	_ =	shalt  }
0x62: {  	_ =	shalt  }
0x63: {  	_ =	shalt  }
0x64: {  	_ =	shalt  }
0x65: {  	_ =	shalt  }
0x66: {  	_ =	shalt  }
0x67: {  	_ =	shalt  }
0x68: {  	_ =	shalt  }
0x69: {  	_ =	shalt  }
0x6a: {  	_ =	shalt  }
0x6b: {  	_ =	shalt  }
0x6c: {  	_ =	shalt  }
0x6d: {  	_ =	shalt  }
0x6e: {  	_ =	shalt  }
0x6f: {  	_ =	shalt  }
0x70: {  	_ =	shalt  }
0x71: {  	_ =	shalt  }
0x72: {  	_ =	shalt  }
0x73: {  	_ =	shalt  }
0x74: {  	_ =	shalt  }
0x75: {  	_ =	shalt  }
0x76: {  	_ =	shalt  }
0x77: {  	_ =	shalt  }
0x78: {  	_ =	shalt  }
0x79: {  	_ =	shalt  }
0x7a: {  	_ =	shalt  }
0x7b: {  	_ =	shalt  }
0x7c: {  	_ =	shalt  }
0x7d: {  	_ =	shalt  }
0x7e: {  	_ =	shalt  }
0x7f: {  	_ =	shalt  }
0x80: {  	_ =	shalt  }
0x81: {  	_ =	shalt  }
0x82: {  	_ =	shalt  }
0x83: {  	_ =	shalt  }
0x84: {  	_ =	shalt  }
0x85: {  	_ =	shalt  }
0x86: {  	_ =	shalt  }
0x87: {  	_ =	shalt  }
.Lfunc_end0:
.L_simem_size_0:
called_computation_lowered:
.L_overlay_start_0:
0x88: {  	s0 =	sld [smem:$0x3FD9]  }
0x89: {  	s1 =	sld [smem:$0x3FFE];
	_ =	sdelay $0x3  }
0x8a: {  	s0 =	sadd.s32 s1, s0  }
0x8b: {  	[smem:$0x3FC1] =	sst s0  }
0x8c: {  	_ = 	snop  }
0x8d: {  	s0 =	sld [smem:$0x3FC9]  }
0x8e: {  	s17 =	sld [smem:$0x3FC7]  }
0x8f: {  	s2 =	sld [smem:$0x3FD0];
	(tm) =	ssettm $0x1  }
0x90: {  	s3 =	sld [smem:$0x3FFB];
	_ =	sdelay $0x3  }
0x91: {  	_ =	strace s3  }
0x92: {  	s3 =	sld [smem:$0x3FFC];
	_ =	sdelay $0x3  }
0x93: {  	_ =	strace s3  }
0x94: {  	s3 =	sld [smem:$0x3FFD];
	_ =	sdelay $0x3  }
0x95: {  	_ =	strace s3  }
0x96: {  	_ =	strace $0x8FFFFFFF  }
0x97: {  	s18 =	sld [smem:$0x3FDB];
	_ =	sdelay $0x1  }
0x98: {  	s4 =	simm.s32 $_scs_section_size  }
0x99: {  	s5 =	simm.s32 $_size__tile_overlayer_lowered;
	s6 =	simm.s32 $_tile_overlayer_lowered  }
0x9a: {  	s21 =	simm.s32 $0x1BFF;
	s20 =	sshll.u32 s6, $0x1;
	s3 =	sadd.s32 s4, s18  }
0x9b: {  	s7 =	simm.s32 $0x0;
	s19 =	sshll.u32 s5, $0x1;
	s5 =	sadd.s32 s20, s3  }
0x9c: {  	[timem:s7], [sflag:s21] =	dma.local [hbm:s5], s19  }
0x9d: {  	_ =	swait.ge [sflag:s21], s19  }
0x9e: {  	s4 =	ssub.s32 $0x0, s19;
	[sflag:s21] =	ssyncset.done $0x0  }
0x9f: {  	[sflag:s21] =	ssyncadd.s32 s4;
	_ =	sdelay $0x1  }
0xa0: {  	s22 =	simm.s32 $0x1B8B  }
0xa1: {  	_ =	swait.ge [sflag:s22], $0x1  }
0xa2: {  	[sflag:s22] =	ssyncset.done $0x0  }
0xa3: {  	s23 =	simm.s32 $0x1B8E;
	[sflag:s22] =	ssyncadd.s32 $0xFFFFFFFF  }
0xa4: {  	s24 =	simm.s32 $execute0_lowered;
	[smem:$0x3FD2] =	sst s23  }
0xa5: {  	s4 =	sshll.u32 s24, $0x1;
	_ =	strace $0x80000046;
	[dreg:$0x1] =	wrdreg $0xFFFFFFFF  }
0xa6: {  	s25 =	simm.s32 $_size_execute0_lowered;
	s3 =	sadd.s32 s3, s4;
	[dreg:$0x0] =	wrdreg $0x0  }
0xa7: {  	s4 =	sshll.u32 s25, $0x1;
	[dreg:$0x2] =	wrdreg s3  }
0xa8: {  	[dreg:$0x3] =	wrdreg s4  }
0xa9: {  	[dreg:$0x4] =	wrdreg $0xC0  }
0xaa: {  	_ =	task [dreg:s7], $0x5FFFF  }
0xab: {  	[dreg:$0x1] =	wrdreg $0xFFFFFFFF  }
0xac: {  	[dreg:$0x0] =	wrdreg $0x60  }
0xad: {  	[dreg:$0x2] =	wrdreg s17  }
0xae: {  	[dreg:$0x3] =	wrdreg s0  }
0xaf: {  	[dreg:$0x4] =	wrdreg s2  }
0xb0: {  	[dreg:$0x5] =	wrdreg $0x9  }
0xb1: {  	_ =	task.clear_ibuf [dreg:s7], $0x6FFFF;
	_ =	strace $0x90000046  }
0xb2: {  	s26 =	simm.s32 $0x9;
	_ =	strace $0x80000048  }
0xb3: {  	_ =	swait.ge [sflag:s26], $0x1  }
0xb4: {  	[sflag:s26] =	ssyncadd.s32 $0xFFFFFFFF  }
0xb5: {  	_ =	strace $0x90000048  }
0xb6: {  	_ =	sfence  }
0xb7: {  	s28 =	sld [smem:$0x0];
	_ =	sdelay $0x1  }
0xb8: {  	s29 =	srdreg.scid  }
0xb9: {  	s30 =	sshll.u32 s29, $0xD;
	s31 =	sshrl.u32 s29, $0x2  }
0xba: {  	s1 =	sand.u32 $0x1, s29;
	s2 =	sand.u32 $0x4000, s30;
	s0 =	sadd.s32 s31, s28  }
0xbb: {  	s1 =	sor.u32 s2, s1;
	s0 =	sshll.u32 s0, $0x11  }
0xbc: {  	s0 =	sor.u32 s0, s1  }
0xbd: {  	s0 =	sadd.s32 $0x8F2B, s0  }
0xbe: {  	[sflag:s0] =	ssyncadd.remote.s32 $0x1  }
0xbf: {  	_ =	sfence.sel $0xFFFF  }
0xc0: {  	[dreg:$0x0] =	wrdreg $0xFFFFFFFF;
	(pc) =	sbr.abs _section_cstart, $3  }
0xc1: {  	[dreg:$0x1] =	wrdreg $0xFFFFFFFF  }
0xc2: {  	_ =	task.clear_ibuf [dreg:s7], $0x2FFFF;
	_ =	strace $0x9FFFFFFF  }
0xc3: {  	(tm) =	ssettm $0x7FFFFFFF  }
tec
execute0_lowered:
.L_overlay_start_1:
0x0: {  	(tag) =	ssettag $0x1  }
0x1: {  	s4 =	rddreg [dreg:$0x0]  }
0x2: {  	s5 =	rddreg [dreg:$0x1]  }
0x3: {  	s2 =	rddreg [dreg:$0x2]  }
0x4: {  	s0 =	rddreg [dreg:$0x3];
	s3 =	simm.s32 $0x0;
	s1 =	stileid.u32  }
0x5: {  	[smem:$0x7FF] =	sst s3;
	s6 =	sshll.u32 s1, $0x3  }
0x6: {  	s21 =	simm.s32 $0x2;
	_ =	strace $0x80000047;
	s5 =	sadd.s32 s5, s6  }
0x7: {  	[tilespmem:s3], [sflag:$0x2] =	stream.linear.gather [hbm4b:s5+s3], $0x40, $0x38;
	[tilespmem:$0x4080] =	vst v63  }
0x8: {  	_ =	swait.ge [sflag:s21], $0x40  }
0x9: {  	[sflag:s21] =	ssyncset.done $0x0  }
0xa: {  	[sflag:s21] =	ssyncadd.s32 $0xFFFFFFC0  }
0xb: {  	v0 =	vld [tilespmem:$0x0];
	_ =	sdelay $0x4  }
0xc: {  	v1 =	vshll.u32 v0, $0x1  }
0xd: {  	v2 =	vlaneseq.u32;
	v0 =	vand.u32 $0x7, v0;
	v1 =	vand.u32 $0xFFFFFFF0, v1  }
0xe: {  	v60 =	vand.u32 $0x7, v2;
	v3 =	vshrl.u32 v2, $0x3;
	v0 =	vor.u32 v0, v1  }
0xf: {  	v3 =	vmul.u32 $0x8, v3;
	v4 =	vperm.xlane v0, v60  }
0x10: {  	v2 =	vor.u32 $0x8, v2  }
0x11: {  	v0 =	vperm.xlane v0, v2;
	v4 =	vadd.s32 v3, v4;
	_ =	sdelay $0x1  }
0x12: {  	v0 =	vadd.s32 v3, v0;
	_ =	sdelay $0x1  }
0x13: {  	vm0 =	vmmov $0xffff;
	s22 =	simm.s32 $0x80  }
0x14: {  	[tilespmem:s22], [sflag:$0x1] =	stream.indirect_vreg.gather [hbm4b:s4+s3], $0x80, v4, vm0, $0xb8;
	[tilespmem:$0x4080] =	vst v63  }
0x15: {  	s7 =	simm.s32 $0x880  }
0x16: {  	[tilespmem:s7], [sflag:$0x1] =	stream.indirect_vreg.gather [hbm4b:s4+s3], $0x80, v0, vm0, $0xb8;
	[tilespmem:$0x4080] =	vst v63  }
0x17: {  	v0 =	vld [tilespmem:$0x10];
	_ =	sdelay $0x4  }
0x18: {  	v61 =	vshll.u32 v0, $0x1  }
0x19: {  	v0 =	vand.u32 $0x7, v0;
	v4 =	vand.u32 $0xFFFFFFF0, v61  }
0x1a: {  	v0 =	vor.u32 v0, v4  }
0x1b: {  	v4 =	vperm.xlane v0, v60;
	_ =	sdelay $0x1  }
0x1c: {  	v0 =	vperm.xlane v0, v2;
	v4 =	vadd.s32 v3, v4;
	_ =	sdelay $0x1  }
0x1d: {  	v0 =	vadd.s32 v3, v0;
	_ =	sdelay $0x1  }
0x1e: {  	s23 =	simm.s32 $0x1080  }
0x1f: {  	[tilespmem:s23], [sflag:$0x1] =	stream.indirect_vreg.gather [hbm4b:s4+s3], $0x80, v4, vm0, $0xb8;
	[tilespmem:$0x4080] =	vst v63  }
0x20: {  	s24 =	simm.s32 $0x1880  }
0x21: {  	[tilespmem:s24], [sflag:$0x1] =	stream.indirect_vreg.gather [hbm4b:s4+s3], $0x80, v0, vm0, $0xb8;
	[tilespmem:$0x4080] =	vst v63  }
0x22: {  	v0 =	vld [tilespmem:$0x20];
	_ =	sdelay $0x4  }
0x23: {  	v62 =	vshll.u32 v0, $0x1  }
0x24: {  	v0 =	vand.u32 $0x7, v0;
	v4 =	vand.u32 $0xFFFFFFF0, v62  }
0x25: {  	v0 =	vor.u32 v0, v4  }
0x26: {  	v4 =	vperm.xlane v0, v60;
	_ =	sdelay $0x1  }
0x27: {  	v0 =	vperm.xlane v0, v2;
	v4 =	vadd.s32 v3, v4;
	_ =	sdelay $0x1  }
0x28: {  	v0 =	vadd.s32 v3, v0;
	_ =	sdelay $0x1  }
0x29: {  	s25 =	simm.s32 $0x2080  }
0x2a: {  	[tilespmem:s25], [sflag:$0x1] =	stream.indirect_vreg.gather [hbm4b:s4+s3], $0x80, v4, vm0, $0xb8;
	[tilespmem:$0x4080] =	vst v63  }
0x2b: {  	s26 =	simm.s32 $0x2880  }
0x2c: {  	[tilespmem:s26], [sflag:$0x1] =	stream.indirect_vreg.gather [hbm4b:s4+s3], $0x80, v0, vm0, $0xb8;
	[tilespmem:$0x4080] =	vst v63  }
0x2d: {  	v0 =	vld [tilespmem:$0x30];
	_ =	sdelay $0x4  }
0x2e: {  	v63 =	vshll.u32 v0, $0x1  }
0x2f: {  	v0 =	vand.u32 $0x7, v0;
	v4 =	vand.u32 $0xFFFFFFF0, v63  }
0x30: {  	v0 =	vor.u32 v0, v4  }
0x31: {  	v1 =	vperm.xlane v0, v60;
	_ =	sdelay $0x1  }
0x32: {  	v0 =	vperm.xlane v0, v2;
	v1 =	vadd.s32 v3, v1;
	_ =	sdelay $0x1  }
0x33: {  	v0 =	vadd.s32 v3, v0;
	_ =	sdelay $0x1  }
0x34: {  	s28 =	simm.s32 $0x3080  }
0x35: {  	[tilespmem:s28], [sflag:$0x1] =	stream.indirect_vreg.gather [hbm4b:s4+s3], $0x80, v1, vm0, $0xb8;
	[tilespmem:$0x4080] =	vst v63  }
0x36: {  	s29 =	simm.s32 $0x3880;
	s30 =	simm.s32 $0x1  }
0x37: {  	[tilespmem:s29], [sflag:$0x1] =	stream.indirect_vreg.gather [hbm4b:s4+s3], $0x80, v0, vm0, $0xb8;
	[tilespmem:$0x4080] =	vst v63  }
0x38: {  	_ =	swait.ge [sflag:s30], $0x4000  }
0x39: {  	s31 =	sshll.u32 s1, $0xB;
	[sflag:s30] =	ssyncset.done $0x0  }
0x3a: {  	s2 =	sadd.s32 s2, s31;
	[sflag:s30] =	ssyncadd.s32 $0xFFFFC000  }
0x3b: {  	[hbm4b:s2+s3] =	stream.linear.scatter [tilespmem:s22], [sflag:$0x2], $0x4000, $0x38;
	[tilespmem:$0x4080] =	vst v63  }
0x3c: {  	_ =	swait.ge [sflag:s21], $0x4000  }
0x3d: {  	[sflag:s21] =	ssyncset.done $0x0  }
0x3e: {  	[sflag:s21] =	ssyncadd.s32 $0xFFFFC000  }
0x3f: {  	_ =	sfence.sel $0x180000  }
0x40: {  	[bflag:$0x0] =	sbarrier.arrive $0xFFFF  }
0x41: {  	p0 =	sne.s32 s1, $0x0;
	_ =	strace $0x90000047  }
0x42: {  	s0 =	sadd.s32 @!p0 $0x100000, s0;
	[bflag:$0x2] =	sbarrier.arrive $0xFFFF  }
0x43: {  	[sflag:s0] =	ssyncadd.tile.s32 @!p0 $0x1;
	_ =	shalt  }
.Lfunc_end2:
_tile_overlayer_lowered:
.L_overlay_start_2:
0x44: {  	(tag) =	ssettag $0x2  }
0x45: {  	s0 =	rddreg [dreg:$0x0];
	s2 =	stileid.u32  }
0x46: {  	s1 =	rddreg [dreg:$0x1];
	p0 =	sne.s32 s2, $0x0  }
0x47: {  	s3 =	rddreg [dreg:$0x2];
	[bflag:$0x3] =	sbarrier.arrive $0xFFFF;
	s2 =	simm.s32 @!p0 $0x1C02  }
0x48: {  	[timem:s3], [sflag:s2] =	dma.local @!p0 [hbm:s0], s1  }
0x49: {  	s0 =	simm.s32 @!p0 $0x2  }
0x4a: {  	_ =	swait.ge @!p0 [sflag:s0], s1  }
0x4b: {  	s1 =	ssub.s32 @!p0 $0x0, s1;
	[sflag:s0] =	ssyncset.done @!p0 $0x0  }
0x4c: {  	[sflag:s0] =	ssyncadd.s32 @!p0 s1  }
0x4d: {  	[bflag:$0x3] =	sbarrier.arrive $0xFFFF  }
0x4e: {  	_ =	shalt  }

</sc_bundles>
